<compile_context>
chip_gen: v7x
topology: tpu7x:2x2x1
jax: 0.10.2.dev20260603
libtpu: 0.0.44.dev20260713+nightly
codegen_flags: <defaults>
</compile_context>

<pallas_src>
import functools

import jax
import jax.numpy as jnp
from jax import lax
from jax.experimental import pallas as pl
from jax.experimental.pallas import tpu as pltpu
from jax.experimental.pallas import tpu_sc as plsc

N_NODES = 10000
N_EDGES = 160000
LANES = 16
NC = 2
NS = 16
NW = NC * NS

N_TAB = 10240
SLICE = N_TAB // NS
TAIL = N_NODES - (NS - 1) * SLICE
E_HIST = N_EDGES // NS
E_TILE = N_EDGES // NW
N_OUT = N_EDGES + N_NODES


def _rsqrt16(d):
    i = plsc.bitcast(d, jnp.int32)
    i = jnp.int32(0x5F3759DF) - lax.shift_right_arithmetic(i, 1)
    y = plsc.bitcast(i, jnp.float32)
    for _ in range(3):
        y = y * (jnp.float32(1.5) - jnp.float32(0.5) * d * y * y)
    return y


def _body(ei, w, col_v, deg_loc, part_v, dinv_sl, wloop, dinv_loc,
          row_e, col_e, w_v, deg_sh, dinv_sh, sem_c, sem_r, sem_k, sem_w):
    c = lax.axis_index("c")
    s = lax.axis_index("s")
    wid = c * NS + s
    base = wid * E_TILE

    cp_c = pltpu.async_copy(
        ei.at[pl.ds(N_EDGES + s * E_HIST, E_HIST)], col_v, sem_c)
    cp_r = pltpu.async_copy(ei.at[pl.ds(base, E_TILE)], row_e, sem_r)
    cp_k = pltpu.async_copy(
        ei.at[pl.ds(N_EDGES + base, E_TILE)], col_e, sem_k)

    zero = jnp.zeros((LANES,), jnp.float32)

    def zbody(i, carry):
        deg_loc[pl.ds(i * LANES, LANES)] = zero
        return carry

    lax.fori_loop(0, N_TAB // LANES, zbody, 0)
    cp_c.wait()

    ones = jnp.ones((LANES,), jnp.float32)

    def hbody(i, carry):
        idx = col_v[pl.ds(i * LANES, LANES)]
        plsc.addupdate_scatter(deg_loc, [idx], ones)
        return carry

    lax.fori_loop(0, E_HIST // LANES, hbody, 0)
    pltpu.sync_copy(deg_loc, deg_sh.at[s])
    plsc.subcore_barrier()

    pltpu.sync_copy(deg_sh.at[:, pl.ds(s * SLICE, SLICE)], part_v)

    def rbody(j, carry):
        acc = jnp.ones((LANES,), jnp.float32)
        for r in range(NS):
            acc = acc + part_v[r, pl.ds(j * LANES, LANES)]
        y = _rsqrt16(acc)
        dinv_sl[pl.ds(j * LANES, LANES)] = y
        wloop[pl.ds(j * LANES, LANES)] = y * y
        return carry

    lax.fori_loop(0, SLICE // LANES, rbody, 0)
    pltpu.sync_copy(dinv_sl, dinv_sh.at[pl.ds(s * SLICE, SLICE)])

    own = c == lax.rem(s, 2)

    @pl.when(own & (s < NS - 1))
    def _():
        pltpu.async_copy(wloop, w.at[pl.ds(N_EDGES + s * SLICE, SLICE)],
                         sem_w)

    @pl.when(own & (s == NS - 1))
    def _():
        pltpu.async_copy(wloop.at[pl.ds(0, TAIL)],
                         w.at[pl.ds(N_EDGES + (NS - 1) * SLICE, TAIL)], sem_w)

    plsc.subcore_barrier()

    pltpu.sync_copy(dinv_sh, dinv_loc)
    cp_r.wait()
    cp_k.wait()

    def ebody(i, carry):
        o = jnp.minimum(i * LANES, E_TILE - LANES)
        r = row_e[pl.ds(o, LANES)]
        k = col_e[pl.ds(o, LANES)]
        wv = plsc.load_gather(dinv_loc, [r]) * plsc.load_gather(dinv_loc, [k])
        w_v[pl.ds(o, LANES)] = wv
        return carry

    lax.fori_loop(0, (E_TILE + LANES - 1) // LANES, ebody, 0)
    pltpu.sync_copy(w_v, w.at[pl.ds(base, E_TILE)])

    @pl.when(own & (s < NS - 1))
    def _():
        pltpu.make_async_copy(
            wloop, w.at[pl.ds(N_EDGES + s * SLICE, SLICE)], sem_w).wait()

    @pl.when(own & (s == NS - 1))
    def _():
        pltpu.make_async_copy(
            wloop.at[pl.ds(0, TAIL)],
            w.at[pl.ds(N_EDGES + (NS - 1) * SLICE, TAIL)], sem_w).wait()


@functools.partial(
    pl.kernel,
    out_type=jax.ShapeDtypeStruct((N_OUT,), jnp.float32),
    mesh=plsc.VectorSubcoreMesh(
        core_axis_name="c", subcore_axis_name="s", num_cores=NC,
        num_subcores=NS),
    compiler_params=pltpu.CompilerParams(
        needs_layout_passes=False, skip_device_barrier=True),
    scratch_types=[
        pltpu.VMEM((E_HIST,), jnp.int32),
        pltpu.VMEM((N_TAB,), jnp.float32),
        pltpu.VMEM((NS, SLICE), jnp.float32),
        pltpu.VMEM((SLICE,), jnp.float32),
        pltpu.VMEM((SLICE,), jnp.float32),
        pltpu.VMEM((N_TAB,), jnp.float32),
        pltpu.VMEM((E_TILE,), jnp.int32),
        pltpu.VMEM((E_TILE,), jnp.int32),
        pltpu.VMEM((E_TILE,), jnp.float32),
        pltpu.VMEM_SHARED((NS, N_TAB), jnp.float32),
        pltpu.VMEM_SHARED((N_TAB,), jnp.float32),
        pltpu.SemaphoreType.DMA,
        pltpu.SemaphoreType.DMA,
        pltpu.SemaphoreType.DMA,
        pltpu.SemaphoreType.DMA,
    ],
)
def _gcn_norm_sc(ei, w, *rest):
    _body(ei, w, *rest)


def _copy_body(x_ref, o_ref):
    o_ref[...] = x_ref[...]


def _copy_x(x):
    m, d = x.shape
    bm = 2000
    return pl.pallas_call(
        _copy_body,
        out_shape=jax.ShapeDtypeStruct((m, d), x.dtype),
        grid=(m // bm,),
        in_specs=[pl.BlockSpec((bm, d), lambda i: (i, 0))],
        out_specs=pl.BlockSpec((bm, d), lambda i: (i, 0)),
    )(x)


@jax.jit
def kernel(x, edge_index):
    n = x.shape[0]
    loop = jnp.arange(n, dtype=edge_index.dtype)
    ei_aug = jnp.concatenate(
        [edge_index, jnp.stack([loop, loop], axis=0)], axis=1)
    w = _gcn_norm_sc(edge_index.reshape(-1))
    return (_copy_x(x), ei_aug, w)

# --- scband reference (transcript-rebuilt; emitter-appended) ---
"""Pipeline reference for scband-gcnnorm-25778393711219 (READ-ONLY COPY).

The authoritative reference and input builder live on the scoring server;
editing this copy changes nothing except your own understanding.
"""

import jax, jax.numpy as jnp
import numpy as np

N_NODES = 10000
N_EDGES = 160000
D_FEAT = 256
IMPROVED = False
ADD_SELF_LOOPS = True


def setup_inputs(seed: int = 0) -> dict:
    key = jax.random.key(seed)
    k1, k2 = jax.random.split(key)
    x = jax.random.normal(k1, (N_NODES, D_FEAT), dtype=jnp.float32)
    edge_index = jax.random.randint(k2, (2, N_EDGES), 0, N_NODES, dtype=jnp.int32)
    return {"x": x, "edge_index": edge_index}


def reference(x, edge_index):
    num_nodes = x.shape[0]
    num_edges = edge_index.shape[1]
    fill_value = 2.0 if IMPROVED else 1.0
    if ADD_SELF_LOOPS:
        loop = jnp.arange(num_nodes, dtype=edge_index.dtype)
        edge_index = jnp.concatenate([edge_index, jnp.stack([loop, loop], axis=0)], axis=1)
        edge_weight = jnp.concatenate([
            jnp.ones((num_edges,), dtype=x.dtype),
            jnp.full((num_nodes,), fill_value, dtype=x.dtype),
        ])
    else:
        edge_weight = jnp.ones((num_edges,), dtype=x.dtype)
    row = edge_index[0]
    col = edge_index[1]
    deg = jnp.zeros((num_nodes,), dtype=x.dtype).at[col].add(edge_weight)
    deg_inv_sqrt = jnp.where(deg > 0, jax.lax.rsqrt(jnp.maximum(deg, 1e-12)), 0.0)
    edge_weight = deg_inv_sqrt[row] * edge_weight * deg_inv_sqrt[col]
    return (x, edge_index, edge_weight)

if __name__ == "__main__":
    import jax
    _d = setup_inputs()
    print(jax.jit(kernel)(*tuple(_d.values())))

</pallas_src>

<mosaic_0001>
#map = affine_map<(d0, d1) -> (0)>
module attributes {stable_mosaic.version = 14 : i64} {
  func.func @_gcn_norm_sc(%arg0: i32, %arg1: i32, %arg2: memref<320000xi32, #tpu.memory_space<hbm>>, %arg3: memref<170000xf32, #tpu.memory_space<hbm>>, %arg4: memref<10000xi32, #tpu.memory_space<vmem>>, %arg5: memref<10240xf32, #tpu.memory_space<vmem>>, %arg6: memref<16x640xf32, #tpu.memory_space<vmem>>, %arg7: memref<640xf32, #tpu.memory_space<vmem>>, %arg8: memref<640xf32, #tpu.memory_space<vmem>>, %arg9: memref<10240xf32, #tpu.memory_space<vmem>>, %arg10: memref<5000xi32, #tpu.memory_space<vmem>>, %arg11: memref<5000xi32, #tpu.memory_space<vmem>>, %arg12: memref<5000xf32, #tpu.memory_space<vmem>>, %arg13: memref<16x10240xf32, #tpu.memory_space<vmem_shared>>, %arg14: memref<10240xf32, #tpu.memory_space<vmem_shared>>, %arg15: memref<!tpu.dma_semaphore, #tpu.memory_space<semaphore_mem>>, %arg16: memref<!tpu.dma_semaphore, #tpu.memory_space<semaphore_mem>>, %arg17: memref<!tpu.dma_semaphore, #tpu.memory_space<semaphore_mem>>, %arg18: memref<!tpu.dma_semaphore, #tpu.memory_space<semaphore_mem>>) attributes {dimension_semantics = [#tpu.dimension_semantics<core_parallel>, #tpu.dimension_semantics<subcore_parallel>], iteration_bounds = array<i64: 2, 16>, scalar_prefetch = 0 : i64, scratch_operands = 15 : i64, tpu.core_type = #tpu.core_type<sc_vector_subcore>, window_params = [{transform_indices = #map}, {transform_indices = #map}]} {
    %mul3A = arith.constant 16 : i32
    %mul3A_0 = arith.muli %arg0, %mul3A : i32
    %add3A = arith.addi %mul3A_0, %arg1 : i32
    %mul3A_1 = arith.constant 5000 : i32
    %mul3A_2 = arith.muli %add3A, %mul3A_1 : i32
    %mul3A_3 = arith.constant 10000 : i32
    %mul3A_4 = arith.muli %arg1, %mul3A_3 : i32
    %add3A_5 = arith.constant 160000 : i32
    %add3A_6 = arith.addi %add3A_5, %mul3A_4 : i32
    %dma_start3A = tpu.memref_slice %arg2[%add3A_6] : memref<320000xi32, #tpu.memory_space<hbm>> -> memref<10000xi32, #tpu.memory_space<hbm>>
    %dma_start3A_7 = tpu.memref_slice %arg2[%add3A_6] : memref<320000xi32, #tpu.memory_space<hbm>> -> memref<10000xi32, #tpu.memory_space<hbm>>
    tpu.enqueue_dma source(%dma_start3A_7 : memref<10000xi32, #tpu.memory_space<hbm>>) target(%arg4 : memref<10000xi32, #tpu.memory_space<vmem>>) target_semaphore(%arg15 : memref<!tpu.dma_semaphore, #tpu.memory_space<semaphore_mem>>)
    %dma_start3A_8 = tpu.memref_slice %arg2[%mul3A_2] : memref<320000xi32, #tpu.memory_space<hbm>> -> memref<5000xi32, #tpu.memory_space<hbm>>
    %dma_start3A_9 = tpu.memref_slice %arg2[%mul3A_2] : memref<320000xi32, #tpu.memory_space<hbm>> -> memref<5000xi32, #tpu.memory_space<hbm>>
    tpu.enqueue_dma source(%dma_start3A_9 : memref<5000xi32, #tpu.memory_space<hbm>>) target(%arg10 : memref<5000xi32, #tpu.memory_space<vmem>>) target_semaphore(%arg16 : memref<!tpu.dma_semaphore, #tpu.memory_space<semaphore_mem>>)
    %add3A_10 = arith.constant 160000 : i32
    %add3A_11 = arith.addi %add3A_10, %mul3A_2 : i32
    %dma_start3A_12 = tpu.memref_slice %arg2[%add3A_11] : memref<320000xi32, #tpu.memory_space<hbm>> -> memref<5000xi32, #tpu.memory_space<hbm>>
    %dma_start3A_13 = tpu.memref_slice %arg2[%add3A_11] : memref<320000xi32, #tpu.memory_space<hbm>> -> memref<5000xi32, #tpu.memory_space<hbm>>
    tpu.enqueue_dma source(%dma_start3A_13 : memref<5000xi32, #tpu.memory_space<hbm>>) target(%arg11 : memref<5000xi32, #tpu.memory_space<vmem>>) target_semaphore(%arg17 : memref<!tpu.dma_semaphore, #tpu.memory_space<semaphore_mem>>)
    %broadcast_in_dim3A = arith.constant 0.000000e+00 : f32
    %broadcast_in_dim3A_14 = vector.broadcast %broadcast_in_dim3A : f32 to vector<16xf32>
    %scan3A = arith.constant 0 : i32
    %scan3A_15 = arith.constant 0 : i32
    %scan3A_16 = arith.constant 640 : i32
    %scan3A_17 = arith.addi %scan3A_15, %scan3A_16 : i32
    %scan3A_18 = arith.constant 1 : i32
    scf.for %scan3A_71 = %scan3A_15 to %scan3A_17 step %scan3A_18  : i32 {
      %mul3A_72 = arith.constant 16 : i32
      %mul3A_73 = arith.muli %scan3A_71, %mul3A_72 : i32
      %swap3A = arith.index_cast %mul3A_73 : i32 to index
      %swap3A_74 = tpu.vector_load %arg5[%swap3A] {strides = array<i32>} : memref<10240xf32, #tpu.memory_space<vmem>>, vector<16xf32>,
      tpu.vector_store %arg5[%swap3A], %broadcast_in_dim3A_14 {strides = array<i32>} : memref<10240xf32, #tpu.memory_space<vmem>>, vector<16xf32>,
    }
    %scan3A_19 = arith.constant 640 : i32
    %dma_wait3A = tpu.memref_slice %arg2[%add3A_6] : memref<320000xi32, #tpu.memory_space<hbm>> -> memref<10000xi32, #tpu.memory_space<hbm>>
    %dma_wait3A_20 = tpu.memref_slice %arg2[%add3A_6] : memref<320000xi32, #tpu.memory_space<hbm>> -> memref<10000xi32, #tpu.memory_space<hbm>>
    tpu.wait_dma2 semaphore(%arg15 : memref<!tpu.dma_semaphore, #tpu.memory_space<semaphore_mem>>) src(%dma_wait3A_20 : memref<10000xi32, #tpu.memory_space<hbm>>) dst(%arg4 : memref<10000xi32, #tpu.memory_space<vmem>>)
    %broadcast_in_dim3A_21 = arith.constant 1.000000e+00 : f32
    %broadcast_in_dim3A_22 = vector.broadcast %broadcast_in_dim3A_21 : f32 to vector<16xf32>
    %scan3A_23 = arith.constant 0 : i32
    %scan3A_24 = arith.constant 0 : i32
    %scan3A_25 = arith.constant 625 : i32
    %scan3A_26 = arith.addi %scan3A_24, %scan3A_25 : i32
    %scan3A_27 = arith.constant 1 : i32
    scf.for %scan3A_71 = %scan3A_24 to %scan3A_26 step %scan3A_27  : i32 {
      %mul3A_72 = arith.constant 16 : i32
      %mul3A_73 = arith.muli %scan3A_71, %mul3A_72 : i32
      %get3A = arith.index_cast %mul3A_73 : i32 to index
      %get3A_74 = tpu.vector_load %arg4[%get3A] {strides = array<i32>} : memref<10000xi32, #tpu.memory_space<vmem>>, vector<16xi32>,
      tpu.vector_store_idx %arg5[%get3A_74], %broadcast_in_dim3A_22 {add = true} : memref<10240xf32, #tpu.memory_space<vmem>>[vector<16xi32>], vector<16xf32>,
    }
    %scan3A_28 = arith.constant 625 : i32
    "tpu.region"() ({
      %run_scoped3A = tpu.sem_alloc : memref<!tpu.dma_semaphore, #tpu.memory_space<semaphore_mem>>
      %dma_start3A_71 = arith.constant 0 : i32
      %dma_start3A_72 = tpu.memref_slice %arg13[%arg1, %dma_start3A_71] : memref<16x10240xf32, #tpu.memory_space<vmem_shared>> -> memref<1x10240xf32, #tpu.memory_space<vmem_shared>>
      %dma_start3A_73 = tpu.memref_squeeze %dma_start3A_72 : memref<1x10240xf32, #tpu.memory_space<vmem_shared>> -> memref<10240xf32, #tpu.memory_space<vmem_shared>>
      %dma_start3A_74 = arith.constant 0 : i32
      %dma_start3A_75 = tpu.memref_slice %arg13[%arg1, %dma_start3A_74] : memref<16x10240xf32, #tpu.memory_space<vmem_shared>> -> memref<1x10240xf32, #tpu.memory_space<vmem_shared>>
      %dma_start3A_76 = tpu.memref_squeeze %dma_start3A_75 : memref<1x10240xf32, #tpu.memory_space<vmem_shared>> -> memref<10240xf32, #tpu.memory_space<vmem_shared>>
      tpu.enqueue_dma source(%arg5 : memref<10240xf32, #tpu.memory_space<vmem>>) target(%dma_start3A_76 : memref<10240xf32, #tpu.memory_space<vmem_shared>>) target_semaphore(%run_scoped3A : memref<!tpu.dma_semaphore, #tpu.memory_space<semaphore_mem>>)
      %dma_wait3A_77 = arith.constant 0 : i32
      %dma_wait3A_78 = tpu.memref_slice %arg13[%arg1, %dma_wait3A_77] : memref<16x10240xf32, #tpu.memory_space<vmem_shared>> -> memref<1x10240xf32, #tpu.memory_space<vmem_shared>>
      %dma_wait3A_79 = tpu.memref_squeeze %dma_wait3A_78 : memref<1x10240xf32, #tpu.memory_space<vmem_shared>> -> memref<10240xf32, #tpu.memory_space<vmem_shared>>
      %dma_wait3A_80 = arith.constant 0 : i32
      %dma_wait3A_81 = tpu.memref_slice %arg13[%arg1, %dma_wait3A_80] : memref<16x10240xf32, #tpu.memory_space<vmem_shared>> -> memref<1x10240xf32, #tpu.memory_space<vmem_shared>>
      %dma_wait3A_82 = tpu.memref_squeeze %dma_wait3A_81 : memref<1x10240xf32, #tpu.memory_space<vmem_shared>> -> memref<10240xf32, #tpu.memory_space<vmem_shared>>
      tpu.wait_dma2 semaphore(%run_scoped3A : memref<!tpu.dma_semaphore, #tpu.memory_space<semaphore_mem>>) src(%arg5 : memref<10240xf32, #tpu.memory_space<vmem>>) dst(%dma_wait3A_82 : memref<10240xf32, #tpu.memory_space<vmem_shared>>)
      tpu.yield
    }) : () -> ()
    %barrier3A = arith.constant 0 : index
    tpu.barrier barrier_id(%barrier3A)
    %mul3A_29 = arith.constant 640 : i32
    %mul3A_30 = arith.muli %arg1, %mul3A_29 : i32
    "tpu.region"() ({
      %run_scoped3A = tpu.sem_alloc : memref<!tpu.dma_semaphore, #tpu.memory_space<semaphore_mem>>
      %dma_start3A_71 = arith.constant 0 : i32
      %dma_start3A_72 = tpu.memref_slice %arg13[%dma_start3A_71, %mul3A_30] : memref<16x10240xf32, #tpu.memory_space<vmem_shared>> -> memref<16x640xf32, #tpu.memory_space<vmem_shared>>
      %dma_start3A_73 = arith.constant 0 : i32
      %dma_start3A_74 = tpu.memref_slice %arg13[%dma_start3A_73, %mul3A_30] : memref<16x10240xf32, #tpu.memory_space<vmem_shared>> -> memref<16x640xf32, #tpu.memory_space<vmem_shared>>
      tpu.enqueue_dma source(%dma_start3A_74 : memref<16x640xf32, #tpu.memory_space<vmem_shared>>) target(%arg6 : memref<16x640xf32, #tpu.memory_space<vmem>>) target_semaphore(%run_scoped3A : memref<!tpu.dma_semaphore, #tpu.memory_space<semaphore_mem>>)
      %dma_wait3A_75 = arith.constant 0 : i32
      %dma_wait3A_76 = tpu.memref_slice %arg13[%dma_wait3A_75, %mul3A_30] : memref<16x10240xf32, #tpu.memory_space<vmem_shared>> -> memref<16x640xf32, #tpu.memory_space<vmem_shared>>
      %dma_wait3A_77 = arith.constant 0 : i32
      %dma_wait3A_78 = tpu.memref_slice %arg13[%dma_wait3A_77, %mul3A_30] : memref<16x10240xf32, #tpu.memory_space<vmem_shared>> -> memref<16x640xf32, #tpu.memory_space<vmem_shared>>
      tpu.wait_dma2 semaphore(%run_scoped3A : memref<!tpu.dma_semaphore, #tpu.memory_space<semaphore_mem>>) src(%dma_wait3A_78 : memref<16x640xf32, #tpu.memory_space<vmem_shared>>) dst(%arg6 : memref<16x640xf32, #tpu.memory_space<vmem>>)
      tpu.yield
    }) : () -> ()
    %scan3A_31 = arith.constant 0 : i32
    %scan3A_32 = arith.constant 0 : i32
    %scan3A_33 = arith.constant 40 : i32
    %scan3A_34 = arith.addi %scan3A_32, %scan3A_33 : i32
    %scan3A_35 = arith.constant 1 : i32
    scf.for %scan3A_71 = %scan3A_32 to %scan3A_34 step %scan3A_35  : i32 {
      %broadcast_in_dim3A_72 = arith.constant 1.000000e+00 : f32
      %broadcast_in_dim3A_73 = vector.broadcast %broadcast_in_dim3A_72 : f32 to vector<16xf32>
      %mul3A_74 = arith.constant 16 : i32
      %mul3A_75 = arith.muli %scan3A_71, %mul3A_74 : i32
      %get3A = arith.constant 0 : i32
      %get3A_76 = arith.index_cast %get3A : i32 to index
      %get3A_77 = arith.index_cast %mul3A_75 : i32 to index
      %get3A_78 = tpu.vector_load %arg6[%get3A_76, %get3A_77] {strides = array<i32>} : memref<16x640xf32, #tpu.memory_space<vmem>>, vector<16xf32>,
      %add3A_79 = arith.addf %broadcast_in_dim3A_73, %get3A_78 : vector<16xf32>
      %mul3A_80 = arith.constant 16 : i32
      %mul3A_81 = arith.muli %scan3A_71, %mul3A_80 : i32
      %get3A_82 = arith.constant 1 : i32
      %get3A_83 = arith.index_cast %get3A_82 : i32 to index
      %get3A_84 = arith.index_cast %mul3A_81 : i32 to index
      %get3A_85 = tpu.vector_load %arg6[%get3A_83, %get3A_84] {strides = array<i32>} : memref<16x640xf32, #tpu.memory_space<vmem>>, vector<16xf32>,
      %add3A_86 = arith.addf %add3A_79, %get3A_85 : vector<16xf32>
      %mul3A_87 = arith.constant 16 : i32
      %mul3A_88 = arith.muli %scan3A_71, %mul3A_87 : i32
      %get3A_89 = arith.constant 2 : i32
      %get3A_90 = arith.index_cast %get3A_89 : i32 to index
      %get3A_91 = arith.index_cast %mul3A_88 : i32 to index
      %get3A_92 = tpu.vector_load %arg6[%get3A_90, %get3A_91] {strides = array<i32>} : memref<16x640xf32, #tpu.memory_space<vmem>>, vector<16xf32>,
      %add3A_93 = arith.addf %add3A_86, %get3A_92 : vector<16xf32>
      %mul3A_94 = arith.constant 16 : i32
      %mul3A_95 = arith.muli %scan3A_71, %mul3A_94 : i32
      %get3A_96 = arith.constant 3 : i32
      %get3A_97 = arith.index_cast %get3A_96 : i32 to index
      %get3A_98 = arith.index_cast %mul3A_95 : i32 to index
      %get3A_99 = tpu.vector_load %arg6[%get3A_97, %get3A_98] {strides = array<i32>} : memref<16x640xf32, #tpu.memory_space<vmem>>, vector<16xf32>,
      %add3A_100 = arith.addf %add3A_93, %get3A_99 : vector<16xf32>
      %mul3A_101 = arith.constant 16 : i32
      %mul3A_102 = arith.muli %scan3A_71, %mul3A_101 : i32
      %get3A_103 = arith.constant 4 : i32
      %get3A_104 = arith.index_cast %get3A_103 : i32 to index
      %get3A_105 = arith.index_cast %mul3A_102 : i32 to index
      %get3A_106 = tpu.vector_load %arg6[%get3A_104, %get3A_105] {strides = array<i32>} : memref<16x640xf32, #tpu.memory_space<vmem>>, vector<16xf32>,
      %add3A_107 = arith.addf %add3A_100, %get3A_106 : vector<16xf32>
      %mul3A_108 = arith.constant 16 : i32
      %mul3A_109 = arith.muli %scan3A_71, %mul3A_108 : i32
      %get3A_110 = arith.constant 5 : i32
      %get3A_111 = arith.index_cast %get3A_110 : i32 to index
      %get3A_112 = arith.index_cast %mul3A_109 : i32 to index
      %get3A_113 = tpu.vector_load %arg6[%get3A_111, %get3A_112] {strides = array<i32>} : memref<16x640xf32, #tpu.memory_space<vmem>>, vector<16xf32>,
      %add3A_114 = arith.addf %add3A_107, %get3A_113 : vector<16xf32>
      %mul3A_115 = arith.constant 16 : i32
      %mul3A_116 = arith.muli %scan3A_71, %mul3A_115 : i32
      %get3A_117 = arith.constant 6 : i32
      %get3A_118 = arith.index_cast %get3A_117 : i32 to index
      %get3A_119 = arith.index_cast %mul3A_116 : i32 to index
      %get3A_120 = tpu.vector_load %arg6[%get3A_118, %get3A_119] {strides = array<i32>} : memref<16x640xf32, #tpu.memory_space<vmem>>, vector<16xf32>,
      %add3A_121 = arith.addf %add3A_114, %get3A_120 : vector<16xf32>
      %mul3A_122 = arith.constant 16 : i32
      %mul3A_123 = arith.muli %scan3A_71, %mul3A_122 : i32
      %get3A_124 = arith.constant 7 : i32
      %get3A_125 = arith.index_cast %get3A_124 : i32 to index
      %get3A_126 = arith.index_cast %mul3A_123 : i32 to index
      %get3A_127 = tpu.vector_load %arg6[%get3A_125, %get3A_126] {strides = array<i32>} : memref<16x640xf32, #tpu.memory_space<vmem>>, vector<16xf32>,
      %add3A_128 = arith.addf %add3A_121, %get3A_127 : vector<16xf32>
      %mul3A_129 = arith.constant 16 : i32
      %mul3A_130 = arith.muli %scan3A_71, %mul3A_129 : i32
      %get3A_131 = arith.constant 8 : i32
      %get3A_132 = arith.index_cast %get3A_131 : i32 to index
      %get3A_133 = arith.index_cast %mul3A_130 : i32 to index
      %get3A_134 = tpu.vector_load %arg6[%get3A_132, %get3A_133] {strides = array<i32>} : memref<16x640xf32, #tpu.memory_space<vmem>>, vector<16xf32>,
      %add3A_135 = arith.addf %add3A_128, %get3A_134 : vector<16xf32>
      %mul3A_136 = arith.constant 16 : i32
      %mul3A_137 = arith.muli %scan3A_71, %mul3A_136 : i32
      %get3A_138 = arith.constant 9 : i32
      %get3A_139 = arith.index_cast %get3A_138 : i32 to index
      %get3A_140 = arith.index_cast %mul3A_137 : i32 to index
      %get3A_141 = tpu.vector_load %arg6[%get3A_139, %get3A_140] {strides = array<i32>} : memref<16x640xf32, #tpu.memory_space<vmem>>, vector<16xf32>,
      %add3A_142 = arith.addf %add3A_135, %get3A_141 : vector<16xf32>
      %mul3A_143 = arith.constant 16 : i32
      %mul3A_144 = arith.muli %scan3A_71, %mul3A_143 : i32
      %get3A_145 = arith.constant 10 : i32
      %get3A_146 = arith.index_cast %get3A_145 : i32 to index
      %get3A_147 = arith.index_cast %mul3A_144 : i32 to index
      %get3A_148 = tpu.vector_load %arg6[%get3A_146, %get3A_147] {strides = array<i32>} : memref<16x640xf32, #tpu.memory_space<vmem>>, vector<16xf32>,
      %add3A_149 = arith.addf %add3A_142, %get3A_148 : vector<16xf32>
      %mul3A_150 = arith.constant 16 : i32
      %mul3A_151 = arith.muli %scan3A_71, %mul3A_150 : i32
      %get3A_152 = arith.constant 11 : i32
      %get3A_153 = arith.index_cast %get3A_152 : i32 to index
      %get3A_154 = arith.index_cast %mul3A_151 : i32 to index
      %get3A_155 = tpu.vector_load %arg6[%get3A_153, %get3A_154] {strides = array<i32>} : memref<16x640xf32, #tpu.memory_space<vmem>>, vector<16xf32>,
      %add3A_156 = arith.addf %add3A_149, %get3A_155 : vector<16xf32>
      %mul3A_157 = arith.constant 16 : i32
      %mul3A_158 = arith.muli %scan3A_71, %mul3A_157 : i32
      %get3A_159 = arith.constant 12 : i32
      %get3A_160 = arith.index_cast %get3A_159 : i32 to index
      %get3A_161 = arith.index_cast %mul3A_158 : i32 to index
      %get3A_162 = tpu.vector_load %arg6[%get3A_160, %get3A_161] {strides = array<i32>} : memref<16x640xf32, #tpu.memory_space<vmem>>, vector<16xf32>,
      %add3A_163 = arith.addf %add3A_156, %get3A_162 : vector<16xf32>
      %mul3A_164 = arith.constant 16 : i32
      %mul3A_165 = arith.muli %scan3A_71, %mul3A_164 : i32
      %get3A_166 = arith.constant 13 : i32
      %get3A_167 = arith.index_cast %get3A_166 : i32 to index
      %get3A_168 = arith.index_cast %mul3A_165 : i32 to index
      %get3A_169 = tpu.vector_load %arg6[%get3A_167, %get3A_168] {strides = array<i32>} : memref<16x640xf32, #tpu.memory_space<vmem>>, vector<16xf32>,
      %add3A_170 = arith.addf %add3A_163, %get3A_169 : vector<16xf32>
      %mul3A_171 = arith.constant 16 : i32
      %mul3A_172 = arith.muli %scan3A_71, %mul3A_171 : i32
      %get3A_173 = arith.constant 14 : i32
      %get3A_174 = arith.index_cast %get3A_173 : i32 to index
      %get3A_175 = arith.index_cast %mul3A_172 : i32 to index
      %get3A_176 = tpu.vector_load %arg6[%get3A_174, %get3A_175] {strides = array<i32>} : memref<16x640xf32, #tpu.memory_space<vmem>>, vector<16xf32>,
      %add3A_177 = arith.addf %add3A_170, %get3A_176 : vector<16xf32>
      %mul3A_178 = arith.constant 16 : i32
      %mul3A_179 = arith.muli %scan3A_71, %mul3A_178 : i32
      %get3A_180 = arith.constant 15 : i32
      %get3A_181 = arith.index_cast %get3A_180 : i32 to index
      %get3A_182 = arith.index_cast %mul3A_179 : i32 to index
      %get3A_183 = tpu.vector_load %arg6[%get3A_181, %get3A_182] {strides = array<i32>} : memref<16x640xf32, #tpu.memory_space<vmem>>, vector<16xf32>,
      %add3A_184 = arith.addf %add3A_177, %get3A_183 : vector<16xf32>
      %bitcast3A = vector.bitcast %add3A_184 : vector<16xf32> to vector<16xi32>
      %shift_right_arithmetic3A = arith.constant 1 : i32
      %shift_right_arithmetic3A_185 = vector.broadcast %shift_right_arithmetic3A : i32 to vector<16xi32>
      %shift_right_arithmetic3A_186 = arith.shrsi %bitcast3A, %shift_right_arithmetic3A_185 : vector<16xi32>
      %sub3A = arith.constant 1597463007 : i32
      %sub3A_187 = vector.broadcast %sub3A : i32 to vector<16xi32>
      %sub3A_188 = arith.subi %sub3A_187, %shift_right_arithmetic3A_186 : vector<16xi32>
      %bitcast3A_189 = vector.bitcast %sub3A_188 : vector<16xi32> to vector<16xf32>
      %mul3A_190 = arith.constant 5.000000e-01 : f32
      %mul3A_191 = vector.broadcast %mul3A_190 : f32 to vector<16xf32>
      %mul3A_192 = arith.mulf %mul3A_191, %add3A_184 : vector<16xf32>
      %mul3A_193 = arith.mulf %mul3A_192, %bitcast3A_189 : vector<16xf32>
      %mul3A_194 = arith.mulf %mul3A_193, %bitcast3A_189 : vector<16xf32>
      %sub3A_195 = arith.constant 1.500000e+00 : f32
      %sub3A_196 = vector.broadcast %sub3A_195 : f32 to vector<16xf32>
      %sub3A_197 = arith.subf %sub3A_196, %mul3A_194 : vector<16xf32>
      %mul3A_198 = arith.mulf %bitcast3A_189, %sub3A_197 : vector<16xf32>
      %mul3A_199 = arith.constant 5.000000e-01 : f32
      %mul3A_200 = vector.broadcast %mul3A_199 : f32 to vector<16xf32>
      %mul3A_201 = arith.mulf %mul3A_200, %add3A_184 : vector<16xf32>
      %mul3A_202 = arith.mulf %mul3A_201, %mul3A_198 : vector<16xf32>
      %mul3A_203 = arith.mulf %mul3A_202, %mul3A_198 : vector<16xf32>
      %sub3A_204 = arith.constant 1.500000e+00 : f32
      %sub3A_205 = vector.broadcast %sub3A_204 : f32 to vector<16xf32>
      %sub3A_206 = arith.subf %sub3A_205, %mul3A_203 : vector<16xf32>
      %mul3A_207 = arith.mulf %mul3A_198, %sub3A_206 : vector<16xf32>
      %mul3A_208 = arith.constant 5.000000e-01 : f32
      %mul3A_209 = vector.broadcast %mul3A_208 : f32 to vector<16xf32>
      %mul3A_210 = arith.mulf %mul3A_209, %add3A_184 : vector<16xf32>
      %mul3A_211 = arith.mulf %mul3A_210, %mul3A_207 : vector<16xf32>
      %mul3A_212 = arith.mulf %mul3A_211, %mul3A_207 : vector<16xf32>
      %sub3A_213 = arith.constant 1.500000e+00 : f32
      %sub3A_214 = vector.broadcast %sub3A_213 : f32 to vector<16xf32>
      %sub3A_215 = arith.subf %sub3A_214, %mul3A_212 : vector<16xf32>
      %mul3A_216 = arith.mulf %mul3A_207, %sub3A_215 : vector<16xf32>
      %mul3A_217 = arith.constant 16 : i32
      %mul3A_218 = arith.muli %scan3A_71, %mul3A_217 : i32
      %swap3A = arith.index_cast %mul3A_218 : i32 to index
      %swap3A_219 = tpu.vector_load %arg7[%swap3A] {strides = array<i32>} : memref<640xf32, #tpu.memory_space<vmem>>, vector<16xf32>,
      tpu.vector_store %arg7[%swap3A], %mul3A_216 {strides = array<i32>} : memref<640xf32, #tpu.memory_space<vmem>>, vector<16xf32>,
      %mul3A_220 = arith.mulf %mul3A_216, %mul3A_216 : vector<16xf32>
      %mul3A_221 = arith.constant 16 : i32
      %mul3A_222 = arith.muli %scan3A_71, %mul3A_221 : i32
      %swap3A_223 = arith.index_cast %mul3A_222 : i32 to index
      %swap3A_224 = tpu.vector_load %arg8[%swap3A_223] {strides = array<i32>} : memref<640xf32, #tpu.memory_space<vmem>>, vector<16xf32>,
      tpu.vector_store %arg8[%swap3A_223], %mul3A_220 {strides = array<i32>} : memref<640xf32, #tpu.memory_space<vmem>>, vector<16xf32>,
    }
    %scan3A_36 = arith.constant 40 : i32
    %mul3A_37 = arith.constant 640 : i32
    %mul3A_38 = arith.muli %arg1, %mul3A_37 : i32
    "tpu.region"() ({
      %run_scoped3A = tpu.sem_alloc : memref<!tpu.dma_semaphore, #tpu.memory_space<semaphore_mem>>
      %dma_start3A_71 = tpu.memref_slice %arg14[%mul3A_38] : memref<10240xf32, #tpu.memory_space<vmem_shared>> -> memref<640xf32, #tpu.memory_space<vmem_shared>>
      %dma_start3A_72 = tpu.memref_slice %arg14[%mul3A_38] : memref<10240xf32, #tpu.memory_space<vmem_shared>> -> memref<640xf32, #tpu.memory_space<vmem_shared>>
      tpu.enqueue_dma source(%arg7 : memref<640xf32, #tpu.memory_space<vmem>>) target(%dma_start3A_72 : memref<640xf32, #tpu.memory_space<vmem_shared>>) target_semaphore(%run_scoped3A : memref<!tpu.dma_semaphore, #tpu.memory_space<semaphore_mem>>)
      %dma_wait3A_73 = tpu.memref_slice %arg14[%mul3A_38] : memref<10240xf32, #tpu.memory_space<vmem_shared>> -> memref<640xf32, #tpu.memory_space<vmem_shared>>
      %dma_wait3A_74 = tpu.memref_slice %arg14[%mul3A_38] : memref<10240xf32, #tpu.memory_space<vmem_shared>> -> memref<640xf32, #tpu.memory_space<vmem_shared>>
      tpu.wait_dma2 semaphore(%run_scoped3A : memref<!tpu.dma_semaphore, #tpu.memory_space<semaphore_mem>>) src(%arg7 : memref<640xf32, #tpu.memory_space<vmem>>) dst(%dma_wait3A_74 : memref<640xf32, #tpu.memory_space<vmem_shared>>)
      tpu.yield
    }) : () -> ()
    %rem3A = arith.constant 2 : i32
    %rem3A_39 = arith.remsi %arg1, %rem3A : i32
    %eq3A = arith.cmpi eq, %arg0, %rem3A_39 : i32
    %lt3A = arith.constant 15 : i32
    %lt3A_40 = arith.cmpi slt, %arg1, %lt3A : i32
    %and3A = arith.andi %eq3A, %lt3A_40 : i1
    %convert_element_type3A = arith.extui %and3A : i1 to i32
    %cond3A = arith.constant 0 : i32
    %cond3A_41 = arith.cmpi ne, %convert_element_type3A, %cond3A : i32
    scf.if %cond3A_41 {
      %mul3A_71 = arith.constant 640 : i32
      %mul3A_72 = arith.muli %arg1, %mul3A_71 : i32
      %add3A_73 = arith.constant 160000 : i32
      %add3A_74 = arith.addi %add3A_73, %mul3A_72 : i32
      %dma_start3A_75 = tpu.memref_slice %arg3[%add3A_74] : memref<170000xf32, #tpu.memory_space<hbm>> -> memref<640xf32, #tpu.memory_space<hbm>>
      %dma_start3A_76 = tpu.memref_slice %arg3[%add3A_74] : memref<170000xf32, #tpu.memory_space<hbm>> -> memref<640xf32, #tpu.memory_space<hbm>>
      tpu.enqueue_dma source(%arg8 : memref<640xf32, #tpu.memory_space<vmem>>) target(%dma_start3A_76 : memref<640xf32, #tpu.memory_space<hbm>>) target_semaphore(%arg18 : memref<!tpu.dma_semaphore, #tpu.memory_space<semaphore_mem>>)
    } else {
    }
    %eq3A_42 = arith.constant 15 : i32
    %eq3A_43 = arith.cmpi eq, %arg1, %eq3A_42 : i32
    %and3A_44 = arith.andi %eq3A, %eq3A_43 : i1
    %convert_element_type3A_45 = arith.extui %and3A_44 : i1 to i32
    %cond3A_46 = arith.constant 0 : i32
    %cond3A_47 = arith.cmpi ne, %convert_element_type3A_45, %cond3A_46 : i32
    scf.if %cond3A_47 {
      %dma_start3A_71 = arith.constant 0 : i32
      %dma_start3A_72 = tpu.memref_slice %arg8[%dma_start3A_71] : memref<640xf32, #tpu.memory_space<vmem>> -> memref<400xf32, #tpu.memory_space<vmem>>
      %dma_start3A_73 = arith.constant 169600 : i32
      %dma_start3A_74 = tpu.memref_slice %arg3[%dma_start3A_73] : memref<170000xf32, #tpu.memory_space<hbm>> -> memref<400xf32, #tpu.memory_space<hbm>>
      %dma_start3A_75 = arith.constant 169600 : i32
      %dma_start3A_76 = tpu.memref_slice %arg3[%dma_start3A_75] : memref<170000xf32, #tpu.memory_space<hbm>> -> memref<400xf32, #tpu.memory_space<hbm>>
      %dma_start3A_77 = arith.constant 0 : i32
      %dma_start3A_78 = tpu.memref_slice %arg8[%dma_start3A_77] : memref<640xf32, #tpu.memory_space<vmem>> -> memref<400xf32, #tpu.memory_space<vmem>>
      tpu.enqueue_dma source(%dma_start3A_78 : memref<400xf32, #tpu.memory_space<vmem>>) target(%dma_start3A_76 : memref<400xf32, #tpu.memory_space<hbm>>) target_semaphore(%arg18 : memref<!tpu.dma_semaphore, #tpu.memory_space<semaphore_mem>>)
    } else {
    }
    %barrier3A_48 = arith.constant 0 : index
    tpu.barrier barrier_id(%barrier3A_48)
    "tpu.region"() ({
      %run_scoped3A = tpu.sem_alloc : memref<!tpu.dma_semaphore, #tpu.memory_space<semaphore_mem>>
      tpu.enqueue_dma source(%arg14 : memref<10240xf32, #tpu.memory_space<vmem_shared>>) target(%arg9 : memref<10240xf32, #tpu.memory_space<vmem>>) target_semaphore(%run_scoped3A : memref<!tpu.dma_semaphore, #tpu.memory_space<semaphore_mem>>)
      tpu.wait_dma2 semaphore(%run_scoped3A : memref<!tpu.dma_semaphore, #tpu.memory_space<semaphore_mem>>) src(%arg14 : memref<10240xf32, #tpu.memory_space<vmem_shared>>) dst(%arg9 : memref<10240xf32, #tpu.memory_space<vmem>>)
      tpu.yield
    }) : () -> ()
    %dma_wait3A_49 = tpu.memref_slice %arg2[%mul3A_2] : memref<320000xi32, #tpu.memory_space<hbm>> -> memref<5000xi32, #tpu.memory_space<hbm>>
    %dma_wait3A_50 = tpu.memref_slice %arg2[%mul3A_2] : memref<320000xi32, #tpu.memory_space<hbm>> -> memref<5000xi32, #tpu.memory_space<hbm>>
    tpu.wait_dma2 semaphore(%arg16 : memref<!tpu.dma_semaphore, #tpu.memory_space<semaphore_mem>>) src(%dma_wait3A_50 : memref<5000xi32, #tpu.memory_space<hbm>>) dst(%arg10 : memref<5000xi32, #tpu.memory_space<vmem>>)
    %dma_wait3A_51 = tpu.memref_slice %arg2[%add3A_11] : memref<320000xi32, #tpu.memory_space<hbm>> -> memref<5000xi32, #tpu.memory_space<hbm>>
    %dma_wait3A_52 = tpu.memref_slice %arg2[%add3A_11] : memref<320000xi32, #tpu.memory_space<hbm>> -> memref<5000xi32, #tpu.memory_space<hbm>>
    tpu.wait_dma2 semaphore(%arg17 : memref<!tpu.dma_semaphore, #tpu.memory_space<semaphore_mem>>) src(%dma_wait3A_52 : memref<5000xi32, #tpu.memory_space<hbm>>) dst(%arg11 : memref<5000xi32, #tpu.memory_space<vmem>>)
    %scan3A_53 = arith.constant 0 : i32
    %scan3A_54 = arith.constant 0 : i32
    %scan3A_55 = arith.constant 313 : i32
    %scan3A_56 = arith.addi %scan3A_54, %scan3A_55 : i32
    %scan3A_57 = arith.constant 1 : i32
    scf.for %scan3A_71 = %scan3A_54 to %scan3A_56 step %scan3A_57  : i32 {
      %mul3A_72 = arith.constant 16 : i32
      %mul3A_73 = arith.muli %scan3A_71, %mul3A_72 : i32
      %min3A = arith.constant 4984 : i32
      %min3A_74 = arith.minsi %mul3A_73, %min3A : i32
      %get3A = arith.index_cast %min3A_74 : i32 to index
      %get3A_75 = tpu.vector_load %arg10[%get3A] {strides = array<i32>} : memref<5000xi32, #tpu.memory_space<vmem>>, vector<16xi32>,
      %get3A_76 = arith.index_cast %min3A_74 : i32 to index
      %get3A_77 = tpu.vector_load %arg11[%get3A_76] {strides = array<i32>} : memref<5000xi32, #tpu.memory_space<vmem>>, vector<16xi32>,
      %gather3A = tpu.vector_load_idx %arg9[%get3A_75] : memref<10240xf32, #tpu.memory_space<vmem>>[vector<16xi32>], vector<16xf32>,
      %gather3A_78 = tpu.vector_load_idx %arg9[%get3A_77] : memref<10240xf32, #tpu.memory_space<vmem>>[vector<16xi32>], vector<16xf32>,
      %mul3A_79 = arith.mulf %gather3A, %gather3A_78 : vector<16xf32>
      %swap3A = arith.index_cast %min3A_74 : i32 to index
      %swap3A_80 = tpu.vector_load %arg12[%swap3A] {strides = array<i32>} : memref<5000xf32, #tpu.memory_space<vmem>>, vector<16xf32>,
      tpu.vector_store %arg12[%swap3A], %mul3A_79 {strides = array<i32>} : memref<5000xf32, #tpu.memory_space<vmem>>, vector<16xf32>,
    }
    %scan3A_58 = arith.constant 313 : i32
    "tpu.region"() ({
      %run_scoped3A = tpu.sem_alloc : memref<!tpu.dma_semaphore, #tpu.memory_space<semaphore_mem>>
      %dma_start3A_71 = tpu.memref_slice %arg3[%mul3A_2] : memref<170000xf32, #tpu.memory_space<hbm>> -> memref<5000xf32, #tpu.memory_space<hbm>>
      %dma_start3A_72 = tpu.memref_slice %arg3[%mul3A_2] : memref<170000xf32, #tpu.memory_space<hbm>> -> memref<5000xf32, #tpu.memory_space<hbm>>
      tpu.enqueue_dma source(%arg12 : memref<5000xf32, #tpu.memory_space<vmem>>) target(%dma_start3A_72 : memref<5000xf32, #tpu.memory_space<hbm>>) target_semaphore(%run_scoped3A : memref<!tpu.dma_semaphore, #tpu.memory_space<semaphore_mem>>)
      %dma_wait3A_73 = tpu.memref_slice %arg3[%mul3A_2] : memref<170000xf32, #tpu.memory_space<hbm>> -> memref<5000xf32, #tpu.memory_space<hbm>>
      %dma_wait3A_74 = tpu.memref_slice %arg3[%mul3A_2] : memref<170000xf32, #tpu.memory_space<hbm>> -> memref<5000xf32, #tpu.memory_space<hbm>>
      tpu.wait_dma2 semaphore(%run_scoped3A : memref<!tpu.dma_semaphore, #tpu.memory_space<semaphore_mem>>) src(%arg12 : memref<5000xf32, #tpu.memory_space<vmem>>) dst(%dma_wait3A_74 : memref<5000xf32, #tpu.memory_space<hbm>>)
      tpu.yield
    }) : () -> ()
    %lt3A_59 = arith.constant 15 : i32
    %lt3A_60 = arith.cmpi slt, %arg1, %lt3A_59 : i32
    %and3A_61 = arith.andi %eq3A, %lt3A_60 : i1
    %convert_element_type3A_62 = arith.extui %and3A_61 : i1 to i32
    %cond3A_63 = arith.constant 0 : i32
    %cond3A_64 = arith.cmpi ne, %convert_element_type3A_62, %cond3A_63 : i32
    scf.if %cond3A_64 {
      %mul3A_71 = arith.constant 640 : i32
      %mul3A_72 = arith.muli %arg1, %mul3A_71 : i32
      %add3A_73 = arith.constant 160000 : i32
      %add3A_74 = arith.addi %add3A_73, %mul3A_72 : i32
      %dma_wait3A_75 = tpu.memref_slice %arg3[%add3A_74] : memref<170000xf32, #tpu.memory_space<hbm>> -> memref<640xf32, #tpu.memory_space<hbm>>
      %dma_wait3A_76 = tpu.memref_slice %arg3[%add3A_74] : memref<170000xf32, #tpu.memory_space<hbm>> -> memref<640xf32, #tpu.memory_space<hbm>>
      tpu.wait_dma2 semaphore(%arg18 : memref<!tpu.dma_semaphore, #tpu.memory_space<semaphore_mem>>) src(%arg8 : memref<640xf32, #tpu.memory_space<vmem>>) dst(%dma_wait3A_76 : memref<640xf32, #tpu.memory_space<hbm>>)
    } else {
    }
    %eq3A_65 = arith.constant 15 : i32
    %eq3A_66 = arith.cmpi eq, %arg1, %eq3A_65 : i32
    %and3A_67 = arith.andi %eq3A, %eq3A_66 : i1
    %convert_element_type3A_68 = arith.extui %and3A_67 : i1 to i32
    %cond3A_69 = arith.constant 0 : i32
    %cond3A_70 = arith.cmpi ne, %convert_element_type3A_68, %cond3A_69 : i32
    scf.if %cond3A_70 {
      %dma_wait3A_71 = arith.constant 0 : i32
      %dma_wait3A_72 = tpu.memref_slice %arg8[%dma_wait3A_71] : memref<640xf32, #tpu.memory_space<vmem>> -> memref<400xf32, #tpu.memory_space<vmem>>
      %dma_wait3A_73 = arith.constant 169600 : i32
      %dma_wait3A_74 = tpu.memref_slice %arg3[%dma_wait3A_73] : memref<170000xf32, #tpu.memory_space<hbm>> -> memref<400xf32, #tpu.memory_space<hbm>>
      %dma_wait3A_75 = arith.constant 169600 : i32
      %dma_wait3A_76 = tpu.memref_slice %arg3[%dma_wait3A_75] : memref<170000xf32, #tpu.memory_space<hbm>> -> memref<400xf32, #tpu.memory_space<hbm>>
      %dma_wait3A_77 = arith.constant 0 : i32
      %dma_wait3A_78 = tpu.memref_slice %arg8[%dma_wait3A_77] : memref<640xf32, #tpu.memory_space<vmem>> -> memref<400xf32, #tpu.memory_space<vmem>>
      tpu.wait_dma2 semaphore(%arg18 : memref<!tpu.dma_semaphore, #tpu.memory_space<semaphore_mem>>) src(%dma_wait3A_78 : memref<400xf32, #tpu.memory_space<vmem>>) dst(%dma_wait3A_76 : memref<400xf32, #tpu.memory_space<hbm>>)
    } else {
    }
    return
  }
}

module attributes {stable_mosaic.version = 14 : i64} {
  func.func @_copy_body(%arg0: i32, %arg1: memref<2000x256xf32, #tpu.memory_space<vmem>>, %arg2: memref<2000x256xf32, #tpu.memory_space<vmem>>) attributes {dimension_semantics = [#tpu.dimension_semantics<arbitrary>], iteration_bounds = array<i64: 5>, scalar_prefetch = 0 : i64, scratch_operands = 0 : i64, tpu.core_type = #tpu.core_type<tc>, window_params = [{transform_indices = @transform_0, window_bounds = array<i64: 2000, 256>}, {transform_indices = @transform_1, window_bounds = array<i64: 2000, 256>}]} {
    %get3A = arith.constant 0 : index
    %get3A_0 = arith.constant 0 : index
    %get3A_1 = vector.load %arg1[%get3A, %get3A_0] : memref<2000x256xf32, #tpu.memory_space<vmem>>, vector<2000x256xf32>
    %swap3A = arith.constant 0 : index
    %swap3A_2 = arith.constant 0 : index
    %swap3A_3 = vector.load %arg2[%swap3A, %swap3A_2] : memref<2000x256xf32, #tpu.memory_space<vmem>>, vector<2000x256xf32>
    tpu.vector_store %arg2[%swap3A, %swap3A_2], %get3A_1 {strides = array<i32>} : memref<2000x256xf32, #tpu.memory_space<vmem>>, vector<2000x256xf32>,
    return
  }
  func.func @transform_0(%arg0: i32) -> (i32, i32) {
    %c0_i32 = arith.constant 0 : i32
    %c0_i32_0 = arith.constant 0 : i32
    return %arg0, %c0_i32 : i32, i32
  }
  func.func @transform_1(%arg0: i32) -> (i32, i32) {
    %c0_i32 = arith.constant 0 : i32
    %c0_i32_0 = arith.constant 0 : i32
    return %arg0, %c0_i32 : i32, i32
  }
}

</mosaic_0001>

<sc_bundles>
// kernel: kernel.4.cloned.1.call-start
scs
__scs_entry_jumppad:
0x0: {  	(pc) =	sbr.rel $0x88, $3  }
0x1: {  	(tag) =	ssettag $0x0;
	lr =	simm.s32 $0x1  }
0x2: {  	[smem:$0x3F9F] =	sst lr;
	_ =	strace $0xD0000000  }
0x3: {  	_ = 	snop  }
0x4: {  	_ = 	snop  }
0x5: {  	_ = 	snop  }
0x6: {  	_ = 	snop  }
0x7: {  	_ = 	snop  }
__scs_overlays_trampoline_lowered:
0x8: {  	[smem:$0x3FAE] =	sst s0  }
0x9: {  	[smem:$0x3FAF] =	sst s1  }
0xa: {  	[smem:$0x3FB0] =	sst s2  }
0xb: {  	[smem:$0x3FB1] =	sst s3  }
0xc: {  	[smem:$0x3FB2] =	sst s4  }
0xd: {  	[smem:$0x3FB3] =	sst s5  }
0xe: {  	[smem:$0x3FB4] =	sst s6  }
0xf: {  	[smem:$0x3FB5] =	sst s7  }
0x10: {  	[smem:$0x3FB6] =	sst s8  }
0x11: {  	[smem:$0x3FB7] =	sst s9;
	s0 =	simm.s32 @!p0 $0x0  }
0x12: {  	s1 =	sld [smem:$0x3F9D];
	s0 =	simm.s32 @p0 $0x1  }
0x13: {  	[smem:$0x3FB8] =	sst s0;
	s0 =	simm.s32 @!p1 $0x0  }
0x14: {  	s2 =	sld [smem:$0x3F9C];
	s0 =	simm.s32 @p1 $0x1  }
0x15: {  	[smem:$0x3FB9] =	sst s0;
	s0 =	simm.s32 @!p2 $0x0  }
0x16: {  	s3 =	sld [smem:$0x3FDB];
	s0 =	simm.s32 @p2 $0x1  }
0x17: {  	s4 =	simm.s32 $0x1BF5;
	[smem:$0x3FBB] =	sst s0  }
0x18: {  	s0 =	sld [smem:$0x3F9E];
	_ =	swait.ge [sflag:s4], $0x0  }
0x19: {  	s7 =	sld [smem:$0x3F9F]  }
0x1a: {  	s8 =	sadd.s32 $0xFFFFE003, lr  }
0x1b: {  	s9 =	sadd.s32 $0xFFFFFEF7, lr;
	s5 =	simm.s32 $0xFFFFFFFF;
	p2 =	slt.u32 s8, $0xFFFFF086  }
0x1c: {  	p1 =	slt.u32 s9, $0xF7A;
	s5 =	simm.s32 @!p2 $0x0  }
0x1d: {  	s5 =	simm.s32 @p1 $0x1;
	p0 =	seq.s32 s7, s2  }
0x1e: {  	s7 =	smul.u32 @!p0 $0xF7A, s2;
	p2 =	seq.s32 @!p0 s5, $0x0  }
0x1f: {  	s9 =	smul.u32 $0xF7A, s1;
	s8 =	simm.s32 @!p0 $0x1BF5;
	p2 =	por !p2, p0  }
0x20: {  	[sflag:s8] =	ssyncset.s32 @!p0 $0xFFFFF086;
	s6 =	sadd.s32 @!p0 s3, s7;
	s7 =	simm.s32 @!p0 $0x108  }
0x21: {  	s3 =	sadd.s32 s3, s9;
	s6 =	sadd.s32 @!p0 $0x88, s6;
	s7 =	simm.s32 @p2 $0x1082  }
0x22: {  	[simem:s7], [sflag:s8] =	dma.local @!p0 [hbm:s6], $0xF7A  }
0x23: {  	s9 =	sor.u32 $0xD0000000, s2;
	s6 =	simm.s32 $0x108;
	_ =	swait.ge @!p0 [sflag:s8], $0x0  }
0x24: {  	s3 =	sadd.s32 $0x88, s3;
	s6 =	simm.s32 @!p1 $0x1082;
	[sflag:s4] =	ssyncset.s32 $0xFFFFF086  }
0x25: {  	[simem:s6], [sflag:s4] =	dma.local [hbm:s3], $0xF7A  }
0x26: {  	[smem:$0x3F9F] =	sst s1;
	(tag) =	ssettag s2;
	_ =	strace s9  }
0x27: {  	s1 =	sld [smem:$0x3FAF]  }
0x28: {  	s2 =	sld [smem:$0x3FB0]  }
0x29: {  	s4 =	sld [smem:$0x3FB2]  }
0x2a: {  	p0 =	seq.s32 s5, $0x0;
	s5 =	sld [smem:$0x3FB3]  }
0x2b: {  	s6 =	sld [smem:$0x3FB4]  }
0x2c: {  	s7 =	sld [smem:$0x3FB5]  }
0x2d: {  	s3 =	simm.s32 $0x108;
	s8 =	sld [smem:$0x3FB6]  }
0x2e: {  	s3 =	simm.s32 @!p0 $0x1082;
	s9 =	sld [smem:$0x3FB7]  }
0x2f: {  	lr =	sadd.s32 s0, s3;
	s0 =	sld [smem:$0x3FAE]  }
0x30: {  	s3 =	sld [smem:$0x3FB1]  }
0x31: {  	[smem:$0x3FBA] =	sst s10  }
0x32: {  	s10 =	sld [smem:$0x3FB8];
	_ =	sdelay $0x3  }
0x33: {  	p0 =	seq.s32 s10, $0x1;
	s10 =	sld [smem:$0x3FBA];
	_ =	sdelay $0x3  }
0x34: {  	[smem:$0x3FBA] =	sst s10  }
0x35: {  	s10 =	sld [smem:$0x3FB9];
	_ =	sdelay $0x3  }
0x36: {  	p1 =	seq.s32 s10, $0x1;
	s10 =	sld [smem:$0x3FBA];
	_ =	sdelay $0x3  }
0x37: {  	[smem:$0x3FBA] =	sst s10  }
0x38: {  	s10 =	sld [smem:$0x3FBB]  }
0x39: {  	_ = 	snop;
	(pc) =	sbr.ind lr, $3  }
0x3a: {  	_ = 	snop  }
0x3b: {  	_ = 	snop  }
0x3c: {  	p2 =	seq.s32 s10, $0x1;
	s10 =	sld [smem:$0x3FBA]  }
0x3d: {  	_ =	shalt  }
0x3e: {  	_ =	shalt  }
0x3f: {  	_ =	shalt  }
0x40: {  	_ =	shalt  }
0x41: {  	_ =	shalt  }
0x42: {  	_ =	shalt  }
0x43: {  	_ =	shalt  }
0x44: {  	_ =	shalt  }
0x45: {  	_ =	shalt  }
0x46: {  	_ =	shalt  }
0x47: {  	_ =	shalt  }
0x48: {  	_ =	shalt  }
0x49: {  	_ =	shalt  }
0x4a: {  	_ =	shalt  }
0x4b: {  	_ =	shalt  }
0x4c: {  	_ =	shalt  }
0x4d: {  	_ =	shalt  }
0x4e: {  	_ =	shalt  }
0x4f: {  	_ =	shalt  }
0x50: {  	_ =	shalt  }
0x51: {  	_ =	shalt  }
0x52: {  	_ =	shalt  }
0x53: {  	_ =	shalt  }
0x54: {  	_ =	shalt  }
0x55: {  	_ =	shalt  }
0x56: {  	_ =	shalt  }
0x57: {  	_ =	shalt  }
0x58: {  	_ =	shalt  }
0x59: {  	_ =	shalt  }
0x5a: {  	_ =	shalt  }
0x5b: {  	_ =	shalt  }
0x5c: {  	_ =	shalt  }
0x5d: {  	_ =	shalt  }
0x5e: {  	_ =	shalt  }
0x5f: {  	_ =	shalt  }
0x60: {  	_ =	shalt  }
0x61: {  	_ =	shalt  }
0x62: {  	_ =	shalt  }
0x63: {  	_ =	shalt  }
0x64: {  	_ =	shalt  }
0x65: {  	_ =	shalt  }
0x66: {  	_ =	shalt  }
0x67: {  	_ =	shalt  }
0x68: {  	_ =	shalt  }
0x69: {  	_ =	shalt  }
0x6a: {  	_ =	shalt  }
0x6b: {  	_ =	shalt  }
0x6c: {  	_ =	shalt  }
0x6d: {  	_ =	shalt  }
0x6e: {  	_ =	shalt  }
0x6f: {  	_ =	shalt  }
0x70: {  	_ =	shalt  }
0x71: {  	_ =	shalt  }
0x72: {  	_ =	shalt  }
0x73: {  	_ =	shalt  }
0x74: {  	_ =	shalt  }
0x75: {  	_ =	shalt  }
0x76: {  	_ =	shalt  }
0x77: {  	_ =	shalt  }
0x78: {  	_ =	shalt  }
0x79: {  	_ =	shalt  }
0x7a: {  	_ =	shalt  }
0x7b: {  	_ =	shalt  }
0x7c: {  	_ =	shalt  }
0x7d: {  	_ =	shalt  }
0x7e: {  	_ =	shalt  }
0x7f: {  	_ =	shalt  }
0x80: {  	_ =	shalt  }
0x81: {  	_ =	shalt  }
0x82: {  	_ =	shalt  }
0x83: {  	_ =	shalt  }
0x84: {  	_ =	shalt  }
0x85: {  	_ =	shalt  }
0x86: {  	_ =	shalt  }
0x87: {  	_ =	shalt  }
.Lfunc_end0:
.L_simem_size_0:
called_computation_lowered:
.L_overlay_start_0:
0x88: {  	s2 =	sld [smem:$0x3FD9]  }
0x89: {  	s3 =	sld [smem:$0x3FFE];
	_ =	sdelay $0x1  }
0x8a: {  	s1 =	srdreg.scid  }
0x8b: {  	s0 =	sand.u32 $0x1, s1  }
0x8c: {  	s14 =	sshll.u32 s0, $0xA;
	s2 =	sadd.s32 s3, s2  }
0x8d: {  	s2 =	sadd.s32 s2, s14  }
0x8e: {  	[smem:$0x3FC6] =	sst s2  }
0x8f: {  	_ = 	snop  }
0x90: {  	s2 =	sld [smem:$0x3FD0];
	_ =	sdelay $0x2  }
0x91: {  	s15 =	simm.s32 $0xA;
	s4 =	simm.s32 $0x10  }
0x92: {  	[smem:s4], [sflag:s15] =	dma.local [hbm:s2], $0x1  }
0x93: {  	_ =	swait.eq [sflag:s15], $0x1  }
0x94: {  	[sflag:s15] =	ssyncset.done $0x0  }
0x95: {  	[sflag:s15] =	ssyncadd.s32 $0xFFFFFFFF  }
0x96: {  	s16 =	sld [smem:$0x12];
	(tm) =	ssettm $0x1  }
0x97: {  	s17 =	sld [smem:$0x3FFB];
	_ =	sdelay $0x3  }
0x98: {  	_ =	strace s17  }
0x99: {  	s3 =	sld [smem:$0x3FFC];
	_ =	sdelay $0x3  }
0x9a: {  	_ =	strace s3  }
0x9b: {  	s3 =	sld [smem:$0x3FFD];
	_ =	sdelay $0x3  }
0x9c: {  	_ =	strace s3  }
0x9d: {  	_ =	strace $0x8FFFFFFF  }
0x9e: {  	s18 =	sld [smem:$0x3FDB];
	_ =	sdelay $0x1  }
0x9f: {  	s19 =	simm.s32 $_scs_section_size  }
0xa0: {  	s5 =	simm.s32 $_size__tile_overlayer_lowered;
	s6 =	simm.s32 $_tile_overlayer_lowered  }
0xa1: {  	s22 =	simm.s32 $0x1BFF;
	s21 =	sshll.u32 s6, $0x1;
	s3 =	sadd.s32 s19, s18  }
0xa2: {  	s7 =	simm.s32 $0x0;
	s20 =	sshll.u32 s5, $0x1;
	s5 =	sadd.s32 s21, s3  }
0xa3: {  	[timem:s7], [sflag:s22] =	dma.local [hbm:s5], s20  }
0xa4: {  	_ =	swait.ge [sflag:s22], s20  }
0xa5: {  	s4 =	ssub.s32 $0x0, s20;
	[sflag:s22] =	ssyncset.done $0x0  }
0xa6: {  	[sflag:s22] =	ssyncadd.s32 s4;
	_ =	sdelay $0x1  }
0xa7: {  	s23 =	simm.s32 $0x1B8B  }
0xa8: {  	_ =	swait.ge [sflag:s23], $0x1  }
0xa9: {  	[sflag:s23] =	ssyncset.done $0x0  }
0xaa: {  	s25 =	simm.s32 $0x1B8E;
	s24 =	sld [smem:$0x3FFE];
	[sflag:s23] =	ssyncadd.s32 $0xFFFFFFFF  }
0xab: {  	s26 =	simm.s32 $execute0_lowered;
	[smem:$0x3FD2] =	sst s25  }
0xac: {  	s5 =	sshll.u32 s26, $0x1;
	_ =	strace $0x80000046;
	[dreg:$0x1] =	wrdreg $0xFFFFFFFF  }
0xad: {  	s28 =	simm.s32 $_size_execute0_lowered;
	s3 =	sadd.s32 s3, s5;
	[dreg:$0x0] =	wrdreg $0x0  }
0xae: {  	s5 =	sshll.u32 s28, $0x1;
	[dreg:$0x2] =	wrdreg s3  }
0xaf: {  	[dreg:$0x3] =	wrdreg s5  }
0xb0: {  	[dreg:$0x4] =	wrdreg $0xC0  }
0xb1: {  	_ =	task [dreg:s7], $0x5FFFF  }
0xb2: {  	[dreg:$0x1] =	wrdreg $0xFFFFFFFF  }
0xb3: {  	[dreg:$0x0] =	wrdreg $0x60  }
0xb4: {  	[dreg:$0x2] =	wrdreg s24  }
0xb5: {  	[dreg:$0x3] =	wrdreg s16  }
0xb6: {  	[dreg:$0x4] =	wrdreg $0xE0800  }
0xb7: {  	[dreg:$0x5] =	wrdreg $0x108800  }
0xb8: {  	[dreg:$0x6] =	wrdreg $0x9  }
0xb9: {  	_ =	task.clear_ibuf [dreg:s7], $0x7FFFF;
	_ =	strace $0x90000046  }
0xba: {  	s29 =	simm.s32 $0x9;
	_ =	strace $0x80000048  }
0xbb: {  	_ =	swait.ge [sflag:s29], $0x1  }
0xbc: {  	[sflag:s29] =	ssyncadd.s32 $0xFFFFFFFF  }
0xbd: {  	_ =	strace $0x90000048  }
0xbe: {  	_ =	sfence  }
0xbf: {  	s30 =	sld [smem:$0x0];
	_ =	sdelay $0x2  }
0xc0: {  	s31 =	sshll.u32 s1, $0xD;
	s1 =	sshrl.u32 s1, $0x2  }
0xc1: {  	s3 =	sand.u32 $0x4000, s31;
	s1 =	sadd.s32 s1, s30  }
0xc2: {  	s0 =	sor.u32 s3, s0;
	s1 =	sshll.u32 s1, $0x11  }
0xc3: {  	s0 =	sor.u32 s1, s0  }
0xc4: {  	s0 =	sadd.s32 $0x8F2B, s0  }
0xc5: {  	[sflag:s0] =	ssyncadd.remote.s32 $0x1  }
0xc6: {  	_ =	sfence.sel $0xFFFF  }
0xc7: {  	[dreg:$0x0] =	wrdreg $0xFFFFFFFF;
	(pc) =	sbr.abs _section_cstart, $3  }
0xc8: {  	[dreg:$0x1] =	wrdreg $0xFFFFFFFF  }
0xc9: {  	_ =	task.clear_ibuf [dreg:s7], $0x2FFFF;
	_ =	strace $0x9FFFFFFF  }
0xca: {  	(tm) =	ssettm $0x7FFFFFFF  }
0xcb: {  	_ =	shalt  }
tec
execute0_lowered:
.L_overlay_start_1:
0x0: {  	(tag) =	ssettag $0x1  }
0x1: {  	s0 =	rddreg [dreg:$0x0]  }
0x2: {  	s1 =	rddreg [dreg:$0x1]  }
0x3: {  	s2 =	rddreg [dreg:$0x2]  }
0x4: {  	s9 =	rddreg [dreg:$0x3];
	s4 =	srdreg.scid  }
0x5: {  	s3 =	simm.s32 $0x0;
	s14 =	stileid.u32;
	s16 =	simm.s32 $0x1  }
0x6: {  	s17 =	simm.s32 $0x2780;
	s18 =	simm.s32 $0x80;
	s19 =	simm.s32 $0x400  }
0x7: {  	s20 =	simm.s32 $0x5;
	s28 =	simm.s32 $0x3;
	s29 =	simm.s32 $0xCC80  }
0x8: {  	s30 =	simm.s32 $0x0;
	s10 =	sand.u32 $0x1, s4;
	s5 =	smul.u32 $0x2710, s14  }
0x9: {  	[smem:$0x7FF] =	sst s3;
	s0 =	sadd.s32 $0x800, s0;
	s23 =	smul.u32 $0x5000, s14  }
0xa: {  	s8 =	sshrl.u32 s14, $0x3;
	s21 =	sshll.u32 s14, $0x7;
	s11 =	smul.u32 $0x280, s14  }
0xb: {  	s26 =	sand.u32 $0x1, s14;
	p1 =	sne.s32 s14, $0xF;
	p2 =	seq.s32 s14, $0xF  }
0xc: {  	s4 =	sshll.u32 s10, $0x4;
	_ =	strace $0x80000047;
	s6 =	ssub.s32 $0x2, s10  }
0xd: {  	s8 =	smul.u32 $0x50000, s8;
	p0 =	seq.s32 s10, s26;
	s10 =	sadd.s32 $0x52D0, s1  }
0xe: {  	s26 =	simm.s32 $0x2;
	s4 =	sor.u32 s14, s4;
	s7 =	sshrl.u32 s6, $0x1  }
0xf: {  	s5 =	sshrl.u32 s5, $0x3;
	s25 =	sshrl.u32 s23, $0x2;
	s9 =	sadd.s32 s11, s9  }
0x10: {  	p1 =	por !p1, !p0;
	p2 =	por !p2, !p0;
	s31 =	sshrl.u32 s11, $0x3  }
0x11: {  	s23 =	simm.s32 $0x4F80;
	s4 =	smul.u32 $0x1388, s4;
	s5 =	sadd.s32 s0, s5  }
0x12: {  	s13 =	ssub.s32 s6, s7;
	s22 =	sshrl.u32 s8, $0x2;
	s8 =	sadd.s32 s25, s2  }
0x13: {  	p0 =	por !p1, !p1;
	p6 =	por !p2, !p2;
	s25 =	simm.s32 $0x7C80  }
0x14: {  	s24 =	sadd.s32 s22, s2;
	s13 =	smax.u32 s13, $0x1;
	s22 =	simm.s32 $0x14000  }
0x15: {  	p1 =	por !p6, p0;
	s12 =	sshrl.u32 s4, $0x3;
	s4 =	sadd.s32 $0x4E20, s5  }
0x16: {  	s5 =	sadd.s32 s0, s12;
	s0 =	sand.u32 $0x380, s21;
	s12 =	sadd.s32 s1, s12  }
0x17: {  	s21 =	simm.s32 $0x1400;
	s7 =	sadd.s32 s0, s24;
	s0 =	sadd.s32 s1, s31  }
0x18: {  	v0 =	vimm.f32 $0.0e+00;
	v1 =	vimm.f32 $1.000000000e+00;
	s6 =	sadd.s32 $0x4E20, s5;
	s24 =	simm.s32 $0x7780;
	s11 =	sadd.s32 $0x4E20, s0  }
.LBB2_1:
0x19: {  	[tilespmem:s3], [sflag:$0x1] =	stream.linear.gather [hbm4b:s4+s3], $0x2710, $0x38;
	[tilespmem:$0x10B00] =	vst v63  }
0x1a: {  	s0 =	simm.s32 $0xA480  }
0x1b: {  	[tilespmem:s0], [sflag:$0x2] =	stream.linear.gather [hbm4b:s5+s3], $0x1388, $0x38;
	[tilespmem:$0x10B00] =	vst v63  }
0x1c: {  	s31 =	simm.s32 $0xB880;
	s1 =	simm.s32 $0x0;
	s0 =	simm.s32 $0x40  }
0x1d: {  	[tilespmem:s31], [sflag:$0x3] =	stream.linear.gather [hbm4b:s6+s3], $0x1388, $0x38;
	[tilespmem:$0x10B00] =	vst v63  }
.LBB2_2:
0x1e: {  	p2 =	sne.s32 s0, $0x9FC0;
	[tilespmem:s1+$0x2780] =	vst v0;
	s1 =	smov.u32 s0;
	s0 =	sadd.s32 $0x40, s0  }
.Ltmp0:
0x1f: {  	(pc) =	sbr.rel @p2 .LBB2_2-.Ltmp0, $2  }
0x20: {  	_ =	sdelay $0x2  }
0x21: {  	s1 =	sshra.s32 s1, $0x2  }
0x22: {  	[tilespmem:s1+$0x2780] =	vst v0  }
0x23: {  	_ =	swait.ge [sflag:s16], $0x2710  }
0x24: {  	[sflag:s16] =	ssyncset.done $0x0  }
0x25: {  	s1 =	simm.s32 $0x0;
	s0 =	simm.s32 $0x40;
	[sflag:s16] =	ssyncadd.s32 $0xFFFFD8F0  }
.LBB2_4:
0x26: {  	p2 =	sne.s32 s0, $0x9C00;
	v2 =	vld [tilespmem:s1+$0x0];
	_ =	sdelay $0x3  }
.Ltmp1:
0x27: {  	(pc) =	sbr.rel @p2 .LBB2_4-.Ltmp1, $2  }
0x28: {  	_ =	sdelay $0x2  }
0x29: {  	s1 =	sshra.s32 s0, $0x2;
	s0 =	sadd.s32 $0x40, s0;
	[tilespmem:v2+s17+$0x0] =	vst.idx.add.f32.msk $0xffff, v1  }
0x2a: {  	v2 =	vld [tilespmem:s1+$0x0];
	_ =	sdelay $0x7  }
0x2b: {  	[tilespmem:v2+s17+$0x0] =	vst.idx.add.f32.msk $0xffff, v1  }
0x2c: {  	[spmem:s7] =	stream.strided.scatter [tilespmem:s17], [sflag:$0x5], $0x2800, s19, s18, $0x38;
	[tilespmem:$0x10B00] =	vst v63  }
0x2d: {  	_ =	swait.ge [sflag:s20], $0x2800  }
0x2e: {  	[sflag:s20] =	ssyncset.done $0x0  }
0x2f: {  	[sflag:s20] =	ssyncadd.s32 $0xFFFFD800  }
0x30: {  	[bflag:$0x0] =	sbarrier.arrive $0xFFFF  }
0x31: {  	[tilespmem:s23], [sflag:$0x5] =	stream.strided.gather [spmem:s8], $0x2800, s22, s21, $0x38;
	[tilespmem:$0x10B00] =	vst v63  }
0x32: {  	s0 =	simm.s32 $0x0;
	_ =	swait.ge [sflag:s20], $0x2800  }
0x33: {  	s14 =	sand.u32 $0x70, s0;
	s0 =	sand.u32 $0x1C00, s0;
	[sflag:s20] =	ssyncset.done $0x0  }
0x34: {  	s0 =	sor.u32 s14, s0;
	[sflag:s20] =	ssyncadd.s32 $0xFFFFD800  }
0x35: {  	v2 =	vld [tilespmem:s0+$0x4F80];
	_ =	sdelay $0x1  }
0x36: {  	v3 =	vld [tilespmem:s0+$0x5000];
	_ =	sdelay $0x1  }
0x37: {  	v4 =	vld [tilespmem:s0+$0x5080]  }
0x38: {  	v2 =	vadd.f32 $1.000000000e+00, v2  }
0x39: {  	v5 =	vld [tilespmem:s0+$0x5100]  }
0x3a: {  	v2 =	vadd.f32 v3, v2  }
0x3b: {  	v3 =	vld [tilespmem:s0+$0x5180]  }
0x3c: {  	v2 =	vadd.f32 v4, v2  }
0x3d: {  	v55 =	vld [tilespmem:s0+$0x5200]  }
0x3e: {  	v2 =	vadd.f32 v5, v2  }
0x3f: {  	v56 =	vld [tilespmem:s0+$0x5280]  }
0x40: {  	v2 =	vadd.f32 v3, v2  }
0x41: {  	v3 =	vld [tilespmem:s0+$0x5300]  }
0x42: {  	v2 =	vadd.f32 v55, v2  }
0x43: {  	v57 =	vld [tilespmem:s0+$0x6380]  }
0x44: {  	v2 =	vadd.f32 v56, v2  }
0x45: {  	v58 =	vld [tilespmem:s0+$0x6400]  }
0x46: {  	v2 =	vadd.f32 v3, v2  }
0x47: {  	v3 =	vld [tilespmem:s0+$0x6480]  }
0x48: {  	v2 =	vadd.f32 v57, v2  }
0x49: {  	v59 =	vld [tilespmem:s0+$0x6500]  }
0x4a: {  	v2 =	vadd.f32 v58, v2  }
0x4b: {  	v60 =	vld [tilespmem:s0+$0x6580]  }
0x4c: {  	v2 =	vadd.f32 v3, v2  }
0x4d: {  	v3 =	vld [tilespmem:s0+$0x6600]  }
0x4e: {  	v2 =	vadd.f32 v59, v2  }
0x4f: {  	v61 =	vld [tilespmem:s0+$0x6680]  }
0x50: {  	v2 =	vadd.f32 v60, v2  }
0x51: {  	v62 =	vld [tilespmem:s0+$0x6700]  }
0x52: {  	v2 =	vadd.f32 v3, v2;
	_ =	sdelay $0x1  }
0x53: {  	v2 =	vadd.f32 v61, v2;
	_ =	sdelay $0x1  }
0x54: {  	v2 =	vadd.f32 v62, v2;
	_ =	sdelay $0x1  }
0x55: {  	v3 =	vshra.s32 v2, $0x1;
	v2 =	vmul.f32 $5.000000000e-01, v2  }
0x56: {  	v3 =	vsub.s32 $0x5F3759DF, v3  }
0x57: {  	v63 =	vmul.f32 v3, v2;
	_ =	sdelay $0x1  }
0x58: {  	v4 =	vmul.f32 v3, v63;
	_ =	sdelay $0x1  }
0x59: {  	v4 =	vsub.f32 $1.500000000e+00, v4;
	_ =	sdelay $0x1  }
0x5a: {  	v3 =	vmul.f32 v3, v4;
	_ =	sdelay $0x1  }
0x5b: {  	v4 =	vmul.f32 v3, v2;
	_ =	sdelay $0x1  }
0x5c: {  	v4 =	vmul.f32 v4, v3;
	_ =	sdelay $0x1  }
0x5d: {  	v4 =	vsub.f32 $1.500000000e+00, v4;
	_ =	sdelay $0x1  }
0x5e: {  	v3 =	vmul.f32 v4, v3;
	_ =	sdelay $0x1  }
0x5f: {  	v2 =	vmul.f32 v3, v2;
	_ =	sdelay $0x1  }
0x60: {  	v2 =	vmul.f32 v2, v3;
	_ =	sdelay $0x1  }
0x61: {  	v2 =	vsub.f32 $1.500000000e+00, v2;
	_ =	sdelay $0x1  }
0x62: {  	v2 =	vmul.f32 v2, v3  }
0x63: {  	s0 =	simm.s32 $0x7780  }
0x64: {  	s31 =	simm.s32 $0x7A00;
	s15 =	simm.s32 $0x10;
	s2 =	simm.s32 $0x80;
	[tilespmem:s0+$0x0] =	vst v2;
	v2 =	vmul.f32 v2, v2  }
0x65: {  	s1 =	simm.s32 $0x20;
	s14 =	sand.u32 $0x70, s15;
	s15 =	sand.u32 $0x1C00, s2  }
.LBB2_6:
0x66: {  	p2 =	sne.s32 s1, $0x270;
	s14 =	sor.u32 s14, s15;
	[tilespmem:s31+$0x0] =	vst v2  }
0x67: {  	v2 =	vld [tilespmem:s14+$0x4F80];
	_ =	sdelay $0x1  }
0x68: {  	v3 =	vld [tilespmem:s14+$0x5000];
	_ =	sdelay $0x1  }
0x69: {  	v4 =	vld [tilespmem:s14+$0x5080]  }
0x6a: {  	v2 =	vadd.f32 $1.000000000e+00, v2  }
0x6b: {  	v5 =	vld [tilespmem:s14+$0x5100]  }
0x6c: {  	v2 =	vadd.f32 v3, v2  }
0x6d: {  	v3 =	vld [tilespmem:s14+$0x5180]  }
0x6e: {  	v2 =	vadd.f32 v4, v2  }
0x6f: {  	v4 =	vld [tilespmem:s14+$0x5200]  }
0x70: {  	v2 =	vadd.f32 v5, v2  }
0x71: {  	v5 =	vld [tilespmem:s14+$0x5280]  }
0x72: {  	v2 =	vadd.f32 v3, v2  }
0x73: {  	v3 =	vld [tilespmem:s14+$0x5300]  }
0x74: {  	v2 =	vadd.f32 v4, v2  }
0x75: {  	v4 =	vld [tilespmem:s14+$0x6380]  }
0x76: {  	v2 =	vadd.f32 v5, v2  }
0x77: {  	v5 =	vld [tilespmem:s14+$0x6400]  }
0x78: {  	v2 =	vadd.f32 v3, v2  }
0x79: {  	v3 =	vld [tilespmem:s14+$0x6480]  }
0x7a: {  	v2 =	vadd.f32 v4, v2  }
0x7b: {  	v4 =	vld [tilespmem:s14+$0x6500]  }
0x7c: {  	v2 =	vadd.f32 v5, v2  }
0x7d: {  	v5 =	vld [tilespmem:s14+$0x6580]  }
0x7e: {  	v2 =	vadd.f32 v3, v2  }
0x7f: {  	v3 =	vld [tilespmem:s14+$0x6600]  }
0x80: {  	v2 =	vadd.f32 v4, v2  }
0x81: {  	v4 =	vld [tilespmem:s14+$0x6680]  }
0x82: {  	v2 =	vadd.f32 v5, v2  }
0x83: {  	v5 =	vld [tilespmem:s14+$0x6700]  }
0x84: {  	v2 =	vadd.f32 v3, v2;
	_ =	sdelay $0x1  }
0x85: {  	v2 =	vadd.f32 v4, v2;
	_ =	sdelay $0x1  }
0x86: {  	v2 =	vadd.f32 v5, v2;
	_ =	sdelay $0x1  }
0x87: {  	v3 =	vshra.s32 v2, $0x1;
	v2 =	vmul.f32 $5.000000000e-01, v2  }
0x88: {  	v3 =	vsub.s32 $0x5F3759DF, v3  }
0x89: {  	v4 =	vmul.f32 v3, v2;
	_ =	sdelay $0x1  }
0x8a: {  	v4 =	vmul.f32 v3, v4;
	_ =	sdelay $0x1  }
0x8b: {  	v4 =	vsub.f32 $1.500000000e+00, v4;
	_ =	sdelay $0x1  }
0x8c: {  	v3 =	vmul.f32 v3, v4;
	_ =	sdelay $0x1  }
0x8d: {  	v4 =	vmul.f32 v3, v2;
	_ =	sdelay $0x1  }
0x8e: {  	v4 =	vmul.f32 v4, v3;
	_ =	sdelay $0x1  }
0x8f: {  	v4 =	vsub.f32 $1.500000000e+00, v4;
	_ =	sdelay $0x1  }
0x90: {  	v3 =	vmul.f32 v4, v3;
	_ =	sdelay $0x1  }
0x91: {  	v2 =	vmul.f32 v3, v2;
	_ =	sdelay $0x1  }
0x92: {  	v2 =	vmul.f32 v2, v3;
	_ =	sdelay $0x1  }
0x93: {  	v2 =	vsub.f32 $1.500000000e+00, v2  }
.Ltmp2:
0x94: {  	(pc) =	sbr.rel @p2 .LBB2_6-.Ltmp2, $4  }
0x95: {  	v2 =	vmul.f32 v2, v3  }
0x96: {  	s0 =	sadd.s32 $0x10, s0  }
0x97: {  	s2 =	sadd.s32 $0x80, s2;
	s31 =	sadd.s32 $0x10, s31;
	[tilespmem:s0+$0x0] =	vst v2;
	v2 =	vmul.f32 v2, v2  }
0x98: {  	s15 =	sand.u32 $0x1C00, s2;
	s14 =	sand.u32 $0x70, s1;
	s1 =	sadd.s32 $0x10, s1  }
0x99: {  	s1 =	sor.u32 s14, s15;
	[tilespmem:s31+$0x0] =	vst v2  }
0x9a: {  	v2 =	vld [tilespmem:s1+$0x4F80];
	_ =	sdelay $0x1  }
0x9b: {  	v3 =	vld [tilespmem:s1+$0x5000];
	_ =	sdelay $0x1  }
0x9c: {  	v4 =	vld [tilespmem:s1+$0x5080]  }
0x9d: {  	v2 =	vadd.f32 $1.000000000e+00, v2  }
0x9e: {  	v5 =	vld [tilespmem:s1+$0x5100]  }
0x9f: {  	v2 =	vadd.f32 v3, v2  }
0xa0: {  	v3 =	vld [tilespmem:s1+$0x5180]  }
0xa1: {  	v2 =	vadd.f32 v4, v2  }
0xa2: {  	v4 =	vld [tilespmem:s1+$0x5200]  }
0xa3: {  	v2 =	vadd.f32 v5, v2  }
0xa4: {  	v5 =	vld [tilespmem:s1+$0x5280]  }
0xa5: {  	v2 =	vadd.f32 v3, v2  }
0xa6: {  	v3 =	vld [tilespmem:s1+$0x5300]  }
0xa7: {  	v2 =	vadd.f32 v4, v2  }
0xa8: {  	v4 =	vld [tilespmem:s1+$0x6380]  }
0xa9: {  	v2 =	vadd.f32 v5, v2  }
0xaa: {  	v5 =	vld [tilespmem:s1+$0x6400]  }
0xab: {  	v2 =	vadd.f32 v3, v2  }
0xac: {  	v3 =	vld [tilespmem:s1+$0x6480]  }
0xad: {  	v2 =	vadd.f32 v4, v2  }
0xae: {  	v4 =	vld [tilespmem:s1+$0x6500]  }
0xaf: {  	v2 =	vadd.f32 v5, v2  }
0xb0: {  	v5 =	vld [tilespmem:s1+$0x6580]  }
0xb1: {  	v2 =	vadd.f32 v3, v2  }
0xb2: {  	v3 =	vld [tilespmem:s1+$0x6600]  }
0xb3: {  	v2 =	vadd.f32 v4, v2  }
0xb4: {  	v4 =	vld [tilespmem:s1+$0x6680]  }
0xb5: {  	v2 =	vadd.f32 v5, v2  }
0xb6: {  	v5 =	vld [tilespmem:s1+$0x6700]  }
0xb7: {  	v2 =	vadd.f32 v3, v2;
	_ =	sdelay $0x1  }
0xb8: {  	v2 =	vadd.f32 v4, v2;
	_ =	sdelay $0x1  }
0xb9: {  	v2 =	vadd.f32 v5, v2;
	_ =	sdelay $0x1  }
0xba: {  	v3 =	vshra.s32 v2, $0x1;
	v2 =	vmul.f32 $5.000000000e-01, v2  }
0xbb: {  	v3 =	vsub.s32 $0x5F3759DF, v3  }
0xbc: {  	v4 =	vmul.f32 v3, v2;
	_ =	sdelay $0x1  }
0xbd: {  	v4 =	vmul.f32 v3, v4;
	_ =	sdelay $0x1  }
0xbe: {  	v4 =	vsub.f32 $1.500000000e+00, v4;
	_ =	sdelay $0x1  }
0xbf: {  	v3 =	vmul.f32 v3, v4;
	_ =	sdelay $0x1  }
0xc0: {  	v4 =	vmul.f32 v3, v2;
	_ =	sdelay $0x1  }
0xc1: {  	v4 =	vmul.f32 v4, v3;
	_ =	sdelay $0x1  }
0xc2: {  	v4 =	vsub.f32 $1.500000000e+00, v4;
	_ =	sdelay $0x1  }
0xc3: {  	v3 =	vmul.f32 v4, v3;
	_ =	sdelay $0x1  }
0xc4: {  	v2 =	vmul.f32 v3, v2;
	_ =	sdelay $0x1  }
0xc5: {  	v2 =	vmul.f32 v2, v3;
	_ =	sdelay $0x1  }
0xc6: {  	v2 =	vsub.f32 $1.500000000e+00, v2;
	_ =	sdelay $0x1  }
0xc7: {  	v2 =	vmul.f32 v2, v3;
	_ =	sdelay $0x1  }
0xc8: {  	s0 =	sadd.s32 $0x10, s0;
	v3 =	vmul.f32 v2, v2  }
0xc9: {  	s15 =	sadd.s32 $0x10, s31;
	[tilespmem:s0+$0x0] =	vst v2  }
0xca: {  	[tilespmem:s15+$0x0] =	vst v3  }
0xcb: {  	[spmem:s9] =	stream.linear.scatter [tilespmem:s24], [sflag:$0x5], $0x280, $0x38;
	[tilespmem:$0x10B00] =	vst v63  }
0xcc: {  	_ =	swait.ge [sflag:s20], $0x280  }
0xcd: {  	[sflag:s20] =	ssyncset.done $0x0  }
0xce: {  	s1 =	simm.s32 @!p1 $0x7A00;
	s0 =	simm.s32 @!p1 $0x0;
	[sflag:s20] =	ssyncadd.s32 $0xFFFFFD80  }
0xcf: {  	[hbm4b:s10+s0] =	stream.linear.scatter @!p1 [tilespmem:s1], [sflag:$0x4], $0x190, $0x38;
	[tilespmem:$0x10B00] =	vst v63  }
0xd0: {  	s0 =	simm.s32 @p0 $0x0;
	s1 =	simm.s32 @p0 $0x7A00  }
0xd1: {  	[hbm4b:s11+s0] =	stream.linear.scatter @p0 [tilespmem:s1], [sflag:$0x4], $0x280, $0x38;
	[tilespmem:$0x10B00] =	vst v63  }
0xd2: {  	[bflag:$0x0] =	sbarrier.arrive $0xFFFF  }
0xd3: {  	s31 =	rddreg [dreg:$0x3]  }
0xd4: {  	[tilespmem:s25], [sflag:$0x5] =	stream.linear.gather [spmem:s31], $0x2800, $0x38;
	[tilespmem:$0x10B00] =	vst v63  }
0xd5: {  	_ =	swait.ge [sflag:s20], $0x2800  }
0xd6: {  	[sflag:s20] =	ssyncset.done $0x0  }
0xd7: {  	[sflag:s20] =	ssyncadd.s32 $0xFFFFD800  }
0xd8: {  	_ =	swait.ge [sflag:s26], $0x1388  }
0xd9: {  	[sflag:s26] =	ssyncset.done $0x0  }
0xda: {  	[sflag:s26] =	ssyncadd.s32 $0xFFFFEC78  }
0xdb: {  	_ =	swait.ge [sflag:s28], $0x1388  }
0xdc: {  	[sflag:s28] =	ssyncset.done $0x0  }
0xdd: {  	s0 =	simm.s32 $0x0;
	[sflag:s28] =	ssyncadd.s32 $0xFFFFEC78  }
0xde: {  	v2 =	vld [tilespmem:s0+$0xB880]  }
0xdf: {  	v3 =	vld [tilespmem:s0+$0xA480];
	_ =	sdelay $0x6  }
0xe0: {  	p3 =	por @!p0 $0x0, $0x0;
	p2 =	por @!p1 $0x1, $0x1;
	v2 =	vld.idx.msk [tilespmem:v2+s25+$0x0], $0xffff  }
0xe1: {  	p3 =	por @!p1 p2, p2;
	p2 =	por @p0 $0x0, $0x0;
	s1 =	simm.s32 $0x10;
	v4 =	vld.idx.msk [tilespmem:v3+s25+$0x0], $0xffff  }
0xe2: {  	s2 =	simm.s32 $0x80;
	p2 =	por @!p0 p3, p3;
	v3 =	vld [tilespmem:s1+$0xB880]  }
.LBB2_8:
0xe3: {  	p3 =	sne.s32 s2, $0x4DC0;
	v5 =	vld [tilespmem:s1+$0xA480];
	_ =	sdelay $0x3  }
0xe4: {  	v2 =	vmul.f32 v2, v4  }
.Ltmp3:
0xe5: {  	(pc) =	sbr.rel @p3 .LBB2_8-.Ltmp3, $4  }
0xe6: {  	[tilespmem:s0+$0xCC80] =	vst v2;
	s0 =	smov.u32 s1  }
0xe7: {  	v2 =	vld.idx.msk [tilespmem:v3+s25+$0x0], $0xffff  }
0xe8: {  	s1 =	sshra.s32 s2, $0x2;
	v4 =	vld.idx.msk [tilespmem:v5+s25+$0x0], $0xffff  }
0xe9: {  	s2 =	sadd.s32 $0x40, s2;
	v3 =	vld [tilespmem:s1+$0xB880]  }
0xea: {  	_ = 	snop  }
0xeb: {  	v5 =	vld [tilespmem:s1+$0xA480];
	_ =	sdelay $0x3  }
0xec: {  	v2 =	vmul.f32 v2, v4;
	_ =	sdelay $0x1  }
0xed: {  	[tilespmem:s0+$0xCC80] =	vst v2  }
0xee: {  	v2 =	vld.idx.msk [tilespmem:v3+s25+$0x0], $0xffff  }
0xef: {  	v3 =	vld.idx.msk [tilespmem:v5+s25+$0x0], $0xffff;
	_ =	sdelay $0x4  }
0xf0: {  	v2 =	vmul.f32 v2, v3;
	_ =	sdelay $0x1  }
0xf1: {  	[tilespmem:s1+$0xCC80] =	vst v2  }
0xf2: {  	v2 =	vld [tilespmem:$0xB7F8]  }
0xf3: {  	v3 =	vld [tilespmem:$0xCBF8];
	_ =	sdelay $0x6  }
0xf4: {  	v2 =	vld.idx.msk [tilespmem:v2+s25+$0x0], $0xffff  }
0xf5: {  	v3 =	vld.idx.msk [tilespmem:v3+s25+$0x0], $0xffff;
	_ =	sdelay $0x4  }
0xf6: {  	v2 =	vmul.f32 v3, v2;
	_ =	sdelay $0x1  }
0xf7: {  	[tilespmem:$0xDFF8] =	vst v2  }
0xf8: {  	[hbm4b:s12+s3] =	stream.linear.scatter [tilespmem:s29], [sflag:$0x5], $0x1388, $0x38;
	[tilespmem:$0x10B00] =	vst v63  }
0xf9: {  	_ =	swait.ge [sflag:s20], $0x1388  }
0xfa: {  	[sflag:s20] =	ssyncset.done $0x0  }
0xfb: {  	s30 =	sadd.s32 $0x1, s30;
	s0 =	simm.s32 @p0 $0x4;
	[sflag:s20] =	ssyncadd.s32 $0xFFFFEC78  }
0xfc: {  	p3 =	sne.s32 s30, s13;
	_ =	swait.ge @p0 [sflag:s0], $0x280  }
.Ltmp4:
0xfd: {  	[sflag:s0] =	ssyncset.done @p0 $0x0;
	(pc) =	sbr.rel @p3 .LBB2_1-.Ltmp4, $4  }
0xfe: {  	[sflag:s0] =	ssyncadd.s32 @p0 $0xFFFFFD80;
	s0 =	simm.s32 @p2 $0x4  }
0xff: {  	_ =	swait.ge @p2 [sflag:s0], $0x190  }
0x100: {  	[sflag:s0] =	ssyncset.done @p2 $0x0  }
0x101: {  	[sflag:s0] =	ssyncadd.s32 @p2 $0xFFFFFE70  }
0x102: {  	_ =	sfence.sel $0x180000  }
0x103: {  	[bflag:$0x0] =	sbarrier.arrive $0xFFFF  }
0x104: {  	_ =	strace $0x90000047  }
0x105: {  	s0 =	stileid.u32;
	[bflag:$0x2] =	sbarrier.arrive $0xFFFF  }
0x106: {  	p0 =	sne.s32 s0, $0x0;
	s0 =	rddreg [dreg:$0x4]  }
0x107: {  	s0 =	sadd.s32 @!p0 $0x100000, s0  }
0x108: {  	[sflag:s0] =	ssyncadd.tile.s32 @!p0 $0x1;
	_ =	shalt  }
.Lfunc_end2:
_tile_overlayer_lowered:
.L_overlay_start_2:
0x109: {  	(tag) =	ssettag $0x2  }
0x10a: {  	s0 =	rddreg [dreg:$0x0];
	s2 =	stileid.u32  }
0x10b: {  	s1 =	rddreg [dreg:$0x1];
	p0 =	sne.s32 s2, $0x0  }
0x10c: {  	s3 =	rddreg [dreg:$0x2];
	[bflag:$0x3] =	sbarrier.arrive $0xFFFF;
	s2 =	simm.s32 @!p0 $0x1C05  }
0x10d: {  	[timem:s3], [sflag:s2] =	dma.local @!p0 [hbm:s0], s1  }
0x10e: {  	s0 =	simm.s32 @!p0 $0x5  }
0x10f: {  	_ =	swait.ge @!p0 [sflag:s0], s1  }
0x110: {  	s1 =	ssub.s32 @!p0 $0x0, s1;
	[sflag:s0] =	ssyncset.done @!p0 $0x0  }
0x111: {  	[sflag:s0] =	ssyncadd.s32 @!p0 s1  }
0x112: {  	[bflag:$0x3] =	sbarrier.arrive $0xFFFF  }
0x113: {  	_ =	shalt  }

</sc_bundles>
